<compile_context>
chip_gen: v7x
topology: tpu7x:2x2x1
jax: 0.10.2.dev20260603
libtpu: 0.0.44.dev20260713+nightly
codegen_flags: <defaults>
</compile_context>

<pallas_src>
import functools

import jax
import jax.numpy as jnp
from jax import lax
from jax.experimental import pallas as pl
from jax.experimental.pallas import tpu as pltpu
from jax.experimental.pallas import tpu_sc as plsc

B = 16384
F = 26
V = 100000
D = 32
N_NUM = 13
C_OUT = F * D + N_NUM

NC = 2
NS = 16
L = 16
NW = NC * NS
PLANES = F * D
PPW = PLANES // NW
HB = B // 2
NVEC = HB // L

_mesh = plsc.VectorSubcoreMesh(core_axis_name="c", subcore_axis_name="s")


@functools.partial(
    pl.kernel,
    mesh=_mesh,
    compiler_params=pltpu.CompilerParams(
        use_tc_tiling_on_sc=True,
        needs_layout_passes=False,
    ),
    out_type=jax.ShapeDtypeStruct((C_OUT, B), jnp.float32),
    scratch_types=[
        pltpu.VMEM((V,), jnp.float32),
        pltpu.VMEM((B,), jnp.int32),
        pltpu.VMEM((HB,), jnp.float32),
    ],
)
def _emb_planes(table, xcat_t, xnum_t, out, plane_v, idx_v, val_v):
    wid = lax.axis_index("s") * NC + lax.axis_index("c")

    @pl.when(wid < N_NUM)
    def _():
        for h in range(2):
            pltpu.sync_copy(xnum_t.at[wid, pl.ds(h * HB, HB)], val_v)
            pltpu.sync_copy(val_v, out.at[PLANES + wid, pl.ds(h * HB, HB)])

    def plane_body(i, carry):
        p = wid * PPW + i
        f = p // D
        d = p % D

        @pl.when((d == 0) | (i == 0))
        def _():
            pltpu.sync_copy(xcat_t.at[f], idx_v)

        pltpu.sync_copy(table.at[f, d], plane_v)
        for h in range(2):

            @plsc.parallel_loop(0, NVEC, unroll=16)
            def _(j):
                val_v[pl.ds(j * L, L)] = plsc.load_gather(
                    plane_v, [idx_v[pl.ds(h * HB + j * L, L)]]
                )

            pltpu.sync_copy(val_v, out.at[p, pl.ds(h * HB, HB)])
        return carry

    lax.fori_loop(0, PPW, plane_body, 0)


def kernel(X_num, X_cat, tables):
    t3 = jnp.transpose(tables, (0, 2, 1))
    xcat_t = X_cat.astype(jnp.int32).T
    xnum_t = X_num.T
    cols = _emb_planes(t3, xcat_t, xnum_t)
    return cols.T

# --- scband reference (transcript-rebuilt; emitter-appended) ---
"""Pipeline reference for scband-torch-embeddings-87376814670010 (READ-ONLY COPY).

The authoritative reference and input builder live on the scoring server;
editing this copy changes nothing except your own understanding.
"""

import jax, jax.numpy as jnp
import numpy as np

B = 16384
F = 26
V = 100000
D = 32
N_NUM = 13

def setup_inputs(seed: int = 0) -> dict:
    key = jax.random.key(seed)
    k1, k2, k3 = jax.random.split(key, 3)
    X_num = jax.random.normal(k1, (B, N_NUM), dtype=jnp.float32)
    X_cat = jax.random.randint(k2, (B, F), 0, V, dtype=jnp.int64)
    # One embedding table per categorical field (nn.ModuleList of nn.Embedding),
    # materialized as a stacked array [F, V, D]. nn.Embedding default init ~ N(0,1).
    tables = jax.random.normal(k3, (F, V, D), dtype=jnp.float32)
    return {"X_num": X_num, "X_cat": X_cat, "tables": tables}

def reference(X_num, X_cat, tables):
    # Faithful to: torch.cat([emb(t) for emb, t in zip(self.embeddings_, X_cat.unbind(1))] + [X_num], 1)
    # Per-field gather: tables[f][X_cat[:, f]] for each field f, then concat, then append X_num.
    field_idx = jnp.arange(tables.shape[0])[None, :]  # [1, F]
    embs = tables[field_idx, X_cat]                   # [B, F, D] gather
    cat_part = embs.reshape(X_cat.shape[0], -1)       # same ordering as per-field concat
    return jnp.concatenate([cat_part, X_num], axis=1)

if __name__ == "__main__":
    import jax
    _d = setup_inputs()
    print(jax.jit(kernel)(*tuple(_d.values())))

</pallas_src>

<mosaic_0001>
#map = affine_map<(d0, d1) -> (0, 0, 0)>
#map1 = affine_map<(d0, d1) -> (0, 0)>
module attributes {stable_mosaic.version = 14 : i64} {
  func.func @_emb_planes(%arg0: i32, %arg1: i32, %arg2: memref<26x32x100000xf32, #tpu.memory_space<hbm>>, %arg3: memref<26x16384xi32, #tpu.memory_space<hbm>>, %arg4: memref<13x16384xf32, #tpu.memory_space<hbm>>, %arg5: memref<845x16384xf32, #tpu.memory_space<hbm>>, %arg6: memref<100000xf32, #tpu.memory_space<vmem>>, %arg7: memref<16384xi32, #tpu.memory_space<vmem>>, %arg8: memref<8192xf32, #tpu.memory_space<vmem>>) attributes {dimension_semantics = [#tpu.dimension_semantics<core_parallel>, #tpu.dimension_semantics<subcore_parallel>], iteration_bounds = array<i64: 2, 16>, scalar_prefetch = 0 : i64, scratch_operands = 3 : i64, tpu.core_type = #tpu.core_type<sc_vector_subcore>, window_params = [{transform_indices = #map}, {transform_indices = #map1}, {transform_indices = #map1}, {transform_indices = #map1}]} {
    %mul3A = arith.constant 2 : i32
    %mul3A_0 = arith.muli %arg1, %mul3A : i32
    %add3A = arith.addi %mul3A_0, %arg0 : i32
    %lt3A = arith.constant 13 : i32
    %lt3A_1 = arith.cmpi slt, %add3A, %lt3A : i32
    %convert_element_type3A = arith.extui %lt3A_1 : i1 to i32
    %cond3A = arith.constant 0 : i32
    %cond3A_2 = arith.cmpi ne, %convert_element_type3A, %cond3A : i32
    scf.if %cond3A_2 {
      "tpu.region"() ({
        %run_scoped3A = tpu.sem_alloc : memref<!tpu.dma_semaphore, #tpu.memory_space<semaphore_mem>>
        %dma_start3A = arith.constant 0 : i32
        %dma_start3A_12 = tpu.memref_slice %arg4[%add3A, %dma_start3A] : memref<13x16384xf32, #tpu.memory_space<hbm>> -> memref<1x8192xf32, #tpu.memory_space<hbm>>
        %dma_start3A_13 = tpu.memref_squeeze %dma_start3A_12 : memref<1x8192xf32, #tpu.memory_space<hbm>> -> memref<8192xf32, #tpu.memory_space<hbm>>
        %dma_start3A_14 = arith.constant 0 : i32
        %dma_start3A_15 = tpu.memref_slice %arg4[%add3A, %dma_start3A_14] : memref<13x16384xf32, #tpu.memory_space<hbm>> -> memref<1x8192xf32, #tpu.memory_space<hbm>>
        %dma_start3A_16 = tpu.memref_squeeze %dma_start3A_15 : memref<1x8192xf32, #tpu.memory_space<hbm>> -> memref<8192xf32, #tpu.memory_space<hbm>>
        tpu.enqueue_dma source(%dma_start3A_16 : memref<8192xf32, #tpu.memory_space<hbm>>) target(%arg8 : memref<8192xf32, #tpu.memory_space<vmem>>) target_semaphore(%run_scoped3A : memref<!tpu.dma_semaphore, #tpu.memory_space<semaphore_mem>>)
        %dma_wait3A = arith.constant 0 : i32
        %dma_wait3A_17 = tpu.memref_slice %arg4[%add3A, %dma_wait3A] : memref<13x16384xf32, #tpu.memory_space<hbm>> -> memref<1x8192xf32, #tpu.memory_space<hbm>>
        %dma_wait3A_18 = tpu.memref_squeeze %dma_wait3A_17 : memref<1x8192xf32, #tpu.memory_space<hbm>> -> memref<8192xf32, #tpu.memory_space<hbm>>
        %dma_wait3A_19 = arith.constant 0 : i32
        %dma_wait3A_20 = tpu.memref_slice %arg4[%add3A, %dma_wait3A_19] : memref<13x16384xf32, #tpu.memory_space<hbm>> -> memref<1x8192xf32, #tpu.memory_space<hbm>>
        %dma_wait3A_21 = tpu.memref_squeeze %dma_wait3A_20 : memref<1x8192xf32, #tpu.memory_space<hbm>> -> memref<8192xf32, #tpu.memory_space<hbm>>
        tpu.wait_dma2 semaphore(%run_scoped3A : memref<!tpu.dma_semaphore, #tpu.memory_space<semaphore_mem>>) src(%dma_wait3A_21 : memref<8192xf32, #tpu.memory_space<hbm>>) dst(%arg8 : memref<8192xf32, #tpu.memory_space<vmem>>)
        tpu.yield
      }) : () -> ()
      %add3A_8 = arith.constant 832 : i32
      %add3A_9 = arith.addi %add3A_8, %add3A : i32
      "tpu.region"() ({
        %run_scoped3A = tpu.sem_alloc : memref<!tpu.dma_semaphore, #tpu.memory_space<semaphore_mem>>
        %dma_start3A = arith.constant 0 : i32
        %dma_start3A_12 = tpu.memref_slice %arg5[%add3A_9, %dma_start3A] : memref<845x16384xf32, #tpu.memory_space<hbm>> -> memref<1x8192xf32, #tpu.memory_space<hbm>>
        %dma_start3A_13 = tpu.memref_squeeze %dma_start3A_12 : memref<1x8192xf32, #tpu.memory_space<hbm>> -> memref<8192xf32, #tpu.memory_space<hbm>>
        %dma_start3A_14 = arith.constant 0 : i32
        %dma_start3A_15 = tpu.memref_slice %arg5[%add3A_9, %dma_start3A_14] : memref<845x16384xf32, #tpu.memory_space<hbm>> -> memref<1x8192xf32, #tpu.memory_space<hbm>>
        %dma_start3A_16 = tpu.memref_squeeze %dma_start3A_15 : memref<1x8192xf32, #tpu.memory_space<hbm>> -> memref<8192xf32, #tpu.memory_space<hbm>>
        tpu.enqueue_dma source(%arg8 : memref<8192xf32, #tpu.memory_space<vmem>>) target(%dma_start3A_16 : memref<8192xf32, #tpu.memory_space<hbm>>) target_semaphore(%run_scoped3A : memref<!tpu.dma_semaphore, #tpu.memory_space<semaphore_mem>>)
        %dma_wait3A = arith.constant 0 : i32
        %dma_wait3A_17 = tpu.memref_slice %arg5[%add3A_9, %dma_wait3A] : memref<845x16384xf32, #tpu.memory_space<hbm>> -> memref<1x8192xf32, #tpu.memory_space<hbm>>
        %dma_wait3A_18 = tpu.memref_squeeze %dma_wait3A_17 : memref<1x8192xf32, #tpu.memory_space<hbm>> -> memref<8192xf32, #tpu.memory_space<hbm>>
        %dma_wait3A_19 = arith.constant 0 : i32
        %dma_wait3A_20 = tpu.memref_slice %arg5[%add3A_9, %dma_wait3A_19] : memref<845x16384xf32, #tpu.memory_space<hbm>> -> memref<1x8192xf32, #tpu.memory_space<hbm>>
        %dma_wait3A_21 = tpu.memref_squeeze %dma_wait3A_20 : memref<1x8192xf32, #tpu.memory_space<hbm>> -> memref<8192xf32, #tpu.memory_space<hbm>>
        tpu.wait_dma2 semaphore(%run_scoped3A : memref<!tpu.dma_semaphore, #tpu.memory_space<semaphore_mem>>) src(%arg8 : memref<8192xf32, #tpu.memory_space<vmem>>) dst(%dma_wait3A_21 : memref<8192xf32, #tpu.memory_space<hbm>>)
        tpu.yield
      }) : () -> ()
      "tpu.region"() ({
        %run_scoped3A = tpu.sem_alloc : memref<!tpu.dma_semaphore, #tpu.memory_space<semaphore_mem>>
        %dma_start3A = arith.constant 8192 : i32
        %dma_start3A_12 = tpu.memref_slice %arg4[%add3A, %dma_start3A] : memref<13x16384xf32, #tpu.memory_space<hbm>> -> memref<1x8192xf32, #tpu.memory_space<hbm>>
        %dma_start3A_13 = tpu.memref_squeeze %dma_start3A_12 : memref<1x8192xf32, #tpu.memory_space<hbm>> -> memref<8192xf32, #tpu.memory_space<hbm>>
        %dma_start3A_14 = arith.constant 8192 : i32
        %dma_start3A_15 = tpu.memref_slice %arg4[%add3A, %dma_start3A_14] : memref<13x16384xf32, #tpu.memory_space<hbm>> -> memref<1x8192xf32, #tpu.memory_space<hbm>>
        %dma_start3A_16 = tpu.memref_squeeze %dma_start3A_15 : memref<1x8192xf32, #tpu.memory_space<hbm>> -> memref<8192xf32, #tpu.memory_space<hbm>>
        tpu.enqueue_dma source(%dma_start3A_16 : memref<8192xf32, #tpu.memory_space<hbm>>) target(%arg8 : memref<8192xf32, #tpu.memory_space<vmem>>) target_semaphore(%run_scoped3A : memref<!tpu.dma_semaphore, #tpu.memory_space<semaphore_mem>>)
        %dma_wait3A = arith.constant 8192 : i32
        %dma_wait3A_17 = tpu.memref_slice %arg4[%add3A, %dma_wait3A] : memref<13x16384xf32, #tpu.memory_space<hbm>> -> memref<1x8192xf32, #tpu.memory_space<hbm>>
        %dma_wait3A_18 = tpu.memref_squeeze %dma_wait3A_17 : memref<1x8192xf32, #tpu.memory_space<hbm>> -> memref<8192xf32, #tpu.memory_space<hbm>>
        %dma_wait3A_19 = arith.constant 8192 : i32
        %dma_wait3A_20 = tpu.memref_slice %arg4[%add3A, %dma_wait3A_19] : memref<13x16384xf32, #tpu.memory_space<hbm>> -> memref<1x8192xf32, #tpu.memory_space<hbm>>
        %dma_wait3A_21 = tpu.memref_squeeze %dma_wait3A_20 : memref<1x8192xf32, #tpu.memory_space<hbm>> -> memref<8192xf32, #tpu.memory_space<hbm>>
        tpu.wait_dma2 semaphore(%run_scoped3A : memref<!tpu.dma_semaphore, #tpu.memory_space<semaphore_mem>>) src(%dma_wait3A_21 : memref<8192xf32, #tpu.memory_space<hbm>>) dst(%arg8 : memref<8192xf32, #tpu.memory_space<vmem>>)
        tpu.yield
      }) : () -> ()
      %add3A_10 = arith.constant 832 : i32
      %add3A_11 = arith.addi %add3A_10, %add3A : i32
      "tpu.region"() ({
        %run_scoped3A = tpu.sem_alloc : memref<!tpu.dma_semaphore, #tpu.memory_space<semaphore_mem>>
        %dma_start3A = arith.constant 8192 : i32
        %dma_start3A_12 = tpu.memref_slice %arg5[%add3A_11, %dma_start3A] : memref<845x16384xf32, #tpu.memory_space<hbm>> -> memref<1x8192xf32, #tpu.memory_space<hbm>>
        %dma_start3A_13 = tpu.memref_squeeze %dma_start3A_12 : memref<1x8192xf32, #tpu.memory_space<hbm>> -> memref<8192xf32, #tpu.memory_space<hbm>>
        %dma_start3A_14 = arith.constant 8192 : i32
        %dma_start3A_15 = tpu.memref_slice %arg5[%add3A_11, %dma_start3A_14] : memref<845x16384xf32, #tpu.memory_space<hbm>> -> memref<1x8192xf32, #tpu.memory_space<hbm>>
        %dma_start3A_16 = tpu.memref_squeeze %dma_start3A_15 : memref<1x8192xf32, #tpu.memory_space<hbm>> -> memref<8192xf32, #tpu.memory_space<hbm>>
        tpu.enqueue_dma source(%arg8 : memref<8192xf32, #tpu.memory_space<vmem>>) target(%dma_start3A_16 : memref<8192xf32, #tpu.memory_space<hbm>>) target_semaphore(%run_scoped3A : memref<!tpu.dma_semaphore, #tpu.memory_space<semaphore_mem>>)
        %dma_wait3A = arith.constant 8192 : i32
        %dma_wait3A_17 = tpu.memref_slice %arg5[%add3A_11, %dma_wait3A] : memref<845x16384xf32, #tpu.memory_space<hbm>> -> memref<1x8192xf32, #tpu.memory_space<hbm>>
        %dma_wait3A_18 = tpu.memref_squeeze %dma_wait3A_17 : memref<1x8192xf32, #tpu.memory_space<hbm>> -> memref<8192xf32, #tpu.memory_space<hbm>>
        %dma_wait3A_19 = arith.constant 8192 : i32
        %dma_wait3A_20 = tpu.memref_slice %arg5[%add3A_11, %dma_wait3A_19] : memref<845x16384xf32, #tpu.memory_space<hbm>> -> memref<1x8192xf32, #tpu.memory_space<hbm>>
        %dma_wait3A_21 = tpu.memref_squeeze %dma_wait3A_20 : memref<1x8192xf32, #tpu.memory_space<hbm>> -> memref<8192xf32, #tpu.memory_space<hbm>>
        tpu.wait_dma2 semaphore(%run_scoped3A : memref<!tpu.dma_semaphore, #tpu.memory_space<semaphore_mem>>) src(%arg8 : memref<8192xf32, #tpu.memory_space<vmem>>) dst(%dma_wait3A_21 : memref<8192xf32, #tpu.memory_space<hbm>>)
        tpu.yield
      }) : () -> ()
    } else {
    }
    %scan3A = arith.constant 0 : i32
    %scan3A_3 = arith.constant 0 : i32
    %scan3A_4 = arith.constant 26 : i32
    %scan3A_5 = arith.addi %scan3A_3, %scan3A_4 : i32
    %scan3A_6 = arith.constant 1 : i32
    scf.for %scan3A_8 = %scan3A_3 to %scan3A_5 step %scan3A_6  : i32 {
      %mul3A_9 = arith.constant 26 : i32
      %mul3A_10 = arith.muli %add3A, %mul3A_9 : i32
      %add3A_11 = arith.addi %mul3A_10, %scan3A_8 : i32
      %jit3A = arith.constant 32 : i32
      %div3A = arith.divsi %add3A_11, %jit3A : i32
      %sign3A = arith.constant 0 : i32
      %sign3A_12 = arith.cmpi sgt, %add3A_11, %sign3A : i32
      %sign3A_13 = arith.extui %sign3A_12 : i1 to i32
      %sign3A_14 = arith.constant 0 : i32
      %sign3A_15 = arith.cmpi slt, %add3A_11, %sign3A_14 : i32
      %sign3A_16 = arith.extui %sign3A_15 : i1 to i32
      %sign3A_17 = arith.subi %sign3A_13, %sign3A_16 : i32
      %sign3A_18 = arith.constant 0 : i32
      %sign3A_19 = arith.cmpi sgt, %jit3A, %sign3A_18 : i32
      %sign3A_20 = arith.extui %sign3A_19 : i1 to i32
      %sign3A_21 = arith.constant 0 : i32
      %sign3A_22 = arith.cmpi slt, %jit3A, %sign3A_21 : i32
      %sign3A_23 = arith.extui %sign3A_22 : i1 to i32
      %sign3A_24 = arith.subi %sign3A_20, %sign3A_23 : i32
      %ne3A = arith.cmpi ne, %sign3A_17, %sign3A_24 : i32
      %rem3A = arith.remsi %add3A_11, %jit3A : i32
      %ne3A_25 = arith.constant 0 : i32
      %ne3A_26 = arith.cmpi ne, %rem3A, %ne3A_25 : i32
      %and3A = arith.andi %ne3A, %ne3A_26 : i1
      %sub3A = arith.constant 1 : i32
      %sub3A_27 = arith.subi %div3A, %sub3A : i32
      %select_n3A = arith.select %and3A, %sub3A_27, %div3A : i32
      %jit3A_28 = arith.constant 32 : i32
      %eq3A = arith.constant 0 : i32
      %eq3A_29 = arith.cmpi eq, %jit3A_28, %eq3A : i32
      %jit3A_30 = arith.constant 1 : i32
      %select_n3A_31 = arith.select %eq3A_29, %jit3A_30, %jit3A_28 : i32
      %rem3A_32 = arith.remsi %add3A_11, %select_n3A_31 : i32
      %ne3A_33 = arith.constant 0 : i32
      %ne3A_34 = arith.cmpi ne, %rem3A_32, %ne3A_33 : i32
      %lt3A_35 = arith.constant 0 : i32
      %lt3A_36 = arith.cmpi slt, %rem3A_32, %lt3A_35 : i32
      %lt3A_37 = arith.constant 0 : i32
      %lt3A_38 = arith.cmpi slt, %select_n3A_31, %lt3A_37 : i32
      %ne3A_39 = arith.xori %lt3A_36, %lt3A_38 : i1
      %and3A_40 = arith.andi %ne3A_39, %ne3A_34 : i1
      %add3A_41 = arith.addi %rem3A_32, %select_n3A_31 : i32
      %select_n3A_42 = arith.select %and3A_40, %add3A_41, %rem3A_32 : i32
      %eq3A_43 = arith.constant 0 : i32
      %eq3A_44 = arith.cmpi eq, %select_n3A_42, %eq3A_43 : i32
      %eq3A_45 = arith.constant 0 : i32
      %eq3A_46 = arith.cmpi eq, %scan3A_8, %eq3A_45 : i32
      %or3A = arith.ori %eq3A_44, %eq3A_46 : i1
      %convert_element_type3A_47 = arith.extui %or3A : i1 to i32
      %cond3A_48 = arith.constant 0 : i32
      %cond3A_49 = arith.cmpi ne, %convert_element_type3A_47, %cond3A_48 : i32
      scf.if %cond3A_49 {
        "tpu.region"() ({
          %run_scoped3A = tpu.sem_alloc : memref<!tpu.dma_semaphore, #tpu.memory_space<semaphore_mem>>
          %dma_start3A = arith.constant 0 : i32
          %dma_start3A_55 = tpu.memref_slice %arg3[%select_n3A, %dma_start3A] : memref<26x16384xi32, #tpu.memory_space<hbm>> -> memref<1x16384xi32, #tpu.memory_space<hbm>>
          %dma_start3A_56 = tpu.memref_squeeze %dma_start3A_55 : memref<1x16384xi32, #tpu.memory_space<hbm>> -> memref<16384xi32, #tpu.memory_space<hbm>>
          %dma_start3A_57 = arith.constant 0 : i32
          %dma_start3A_58 = tpu.memref_slice %arg3[%select_n3A, %dma_start3A_57] : memref<26x16384xi32, #tpu.memory_space<hbm>> -> memref<1x16384xi32, #tpu.memory_space<hbm>>
          %dma_start3A_59 = tpu.memref_squeeze %dma_start3A_58 : memref<1x16384xi32, #tpu.memory_space<hbm>> -> memref<16384xi32, #tpu.memory_space<hbm>>
          tpu.enqueue_dma source(%dma_start3A_59 : memref<16384xi32, #tpu.memory_space<hbm>>) target(%arg7 : memref<16384xi32, #tpu.memory_space<vmem>>) target_semaphore(%run_scoped3A : memref<!tpu.dma_semaphore, #tpu.memory_space<semaphore_mem>>)
          %dma_wait3A = arith.constant 0 : i32
          %dma_wait3A_60 = tpu.memref_slice %arg3[%select_n3A, %dma_wait3A] : memref<26x16384xi32, #tpu.memory_space<hbm>> -> memref<1x16384xi32, #tpu.memory_space<hbm>>
          %dma_wait3A_61 = tpu.memref_squeeze %dma_wait3A_60 : memref<1x16384xi32, #tpu.memory_space<hbm>> -> memref<16384xi32, #tpu.memory_space<hbm>>
          %dma_wait3A_62 = arith.constant 0 : i32
          %dma_wait3A_63 = tpu.memref_slice %arg3[%select_n3A, %dma_wait3A_62] : memref<26x16384xi32, #tpu.memory_space<hbm>> -> memref<1x16384xi32, #tpu.memory_space<hbm>>
          %dma_wait3A_64 = tpu.memref_squeeze %dma_wait3A_63 : memref<1x16384xi32, #tpu.memory_space<hbm>> -> memref<16384xi32, #tpu.memory_space<hbm>>
          tpu.wait_dma2 semaphore(%run_scoped3A : memref<!tpu.dma_semaphore, #tpu.memory_space<semaphore_mem>>) src(%dma_wait3A_64 : memref<16384xi32, #tpu.memory_space<hbm>>) dst(%arg7 : memref<16384xi32, #tpu.memory_space<vmem>>)
          tpu.yield
        }) : () -> ()
      } else {
      }
      "tpu.region"() ({
        %run_scoped3A = tpu.sem_alloc : memref<!tpu.dma_semaphore, #tpu.memory_space<semaphore_mem>>
        %dma_start3A = arith.constant 0 : i32
        %dma_start3A_55 = tpu.memref_slice %arg2[%select_n3A, %select_n3A_42, %dma_start3A] : memref<26x32x100000xf32, #tpu.memory_space<hbm>> -> memref<1x1x100000xf32, #tpu.memory_space<hbm>>
        %dma_start3A_56 = tpu.memref_squeeze %dma_start3A_55 : memref<1x1x100000xf32, #tpu.memory_space<hbm>> -> memref<100000xf32, #tpu.memory_space<hbm>>
        %dma_start3A_57 = arith.constant 0 : i32
        %dma_start3A_58 = tpu.memref_slice %arg2[%select_n3A, %select_n3A_42, %dma_start3A_57] : memref<26x32x100000xf32, #tpu.memory_space<hbm>> -> memref<1x1x100000xf32, #tpu.memory_space<hbm>>
        %dma_start3A_59 = tpu.memref_squeeze %dma_start3A_58 : memref<1x1x100000xf32, #tpu.memory_space<hbm>> -> memref<100000xf32, #tpu.memory_space<hbm>>
        tpu.enqueue_dma source(%dma_start3A_59 : memref<100000xf32, #tpu.memory_space<hbm>>) target(%arg6 : memref<100000xf32, #tpu.memory_space<vmem>>) target_semaphore(%run_scoped3A : memref<!tpu.dma_semaphore, #tpu.memory_space<semaphore_mem>>)
        %dma_wait3A = arith.constant 0 : i32
        %dma_wait3A_60 = tpu.memref_slice %arg2[%select_n3A, %select_n3A_42, %dma_wait3A] : memref<26x32x100000xf32, #tpu.memory_space<hbm>> -> memref<1x1x100000xf32, #tpu.memory_space<hbm>>
        %dma_wait3A_61 = tpu.memref_squeeze %dma_wait3A_60 : memref<1x1x100000xf32, #tpu.memory_space<hbm>> -> memref<100000xf32, #tpu.memory_space<hbm>>
        %dma_wait3A_62 = arith.constant 0 : i32
        %dma_wait3A_63 = tpu.memref_slice %arg2[%select_n3A, %select_n3A_42, %dma_wait3A_62] : memref<26x32x100000xf32, #tpu.memory_space<hbm>> -> memref<1x1x100000xf32, #tpu.memory_space<hbm>>
        %dma_wait3A_64 = tpu.memref_squeeze %dma_wait3A_63 : memref<1x1x100000xf32, #tpu.memory_space<hbm>> -> memref<100000xf32, #tpu.memory_space<hbm>>
        tpu.wait_dma2 semaphore(%run_scoped3A : memref<!tpu.dma_semaphore, #tpu.memory_space<semaphore_mem>>) src(%dma_wait3A_64 : memref<100000xf32, #tpu.memory_space<hbm>>) dst(%arg6 : memref<100000xf32, #tpu.memory_space<vmem>>)
        tpu.yield
      }) : () -> ()
      %parallel_loop3A = arith.constant 0 : i32
      %parallel_loop3A_50 = arith.constant 512 : i32
      %parallel_loop3A_51 = arith.constant 1 : i32
      scf.for %parallel_loop3A_55 = %parallel_loop3A to %parallel_loop3A_50 step %parallel_loop3A_51  : i32 {
        %parallel_loop3A_56 = arith.constant 16 : i32
        %parallel_loop3A_57 = arith.muli %parallel_loop3A_55, %parallel_loop3A_56 : i32
        %parallel_loop3A_58 = arith.constant 0 : i32
        %parallel_loop3A_59 = arith.addi %parallel_loop3A_58, %parallel_loop3A_57 : i32
        %parallel_loop3A_60 = arith.index_cast %parallel_loop3A_59 : i32 to index
        %parallel_loop3A_61 = tpu.vector_load %arg7[%parallel_loop3A_60] {strides = array<i32>} : memref<16384xi32, #tpu.memory_space<vmem>>, vector<16xi32>,
        %parallel_loop3A_62 = tpu.vector_load_idx %arg6[%parallel_loop3A_61] : memref<100000xf32, #tpu.memory_space<vmem>>[vector<16xi32>], vector<16xf32>,
        %parallel_loop3A_63 = arith.constant 16 : i32
        %parallel_loop3A_64 = arith.muli %parallel_loop3A_55, %parallel_loop3A_63 : i32
        %parallel_loop3A_65 = arith.index_cast %parallel_loop3A_64 : i32 to index
        %parallel_loop3A_66 = tpu.vector_load %arg8[%parallel_loop3A_65] {strides = array<i32>} : memref<8192xf32, #tpu.memory_space<vmem>>, vector<16xf32>,
        tpu.vector_store %arg8[%parallel_loop3A_65], %parallel_loop3A_62 {strides = array<i32>} : memref<8192xf32, #tpu.memory_space<vmem>>, vector<16xf32>,
      } {sc.loop_unroll_factor = 16 : i64, sc.parallel_access}
      "tpu.region"() ({
        %run_scoped3A = tpu.sem_alloc : memref<!tpu.dma_semaphore, #tpu.memory_space<semaphore_mem>>
        %dma_start3A = arith.constant 0 : i32
        %dma_start3A_55 = tpu.memref_slice %arg5[%add3A_11, %dma_start3A] : memref<845x16384xf32, #tpu.memory_space<hbm>> -> memref<1x8192xf32, #tpu.memory_space<hbm>>
        %dma_start3A_56 = tpu.memref_squeeze %dma_start3A_55 : memref<1x8192xf32, #tpu.memory_space<hbm>> -> memref<8192xf32, #tpu.memory_space<hbm>>
        %dma_start3A_57 = arith.constant 0 : i32
        %dma_start3A_58 = tpu.memref_slice %arg5[%add3A_11, %dma_start3A_57] : memref<845x16384xf32, #tpu.memory_space<hbm>> -> memref<1x8192xf32, #tpu.memory_space<hbm>>
        %dma_start3A_59 = tpu.memref_squeeze %dma_start3A_58 : memref<1x8192xf32, #tpu.memory_space<hbm>> -> memref<8192xf32, #tpu.memory_space<hbm>>
        tpu.enqueue_dma source(%arg8 : memref<8192xf32, #tpu.memory_space<vmem>>) target(%dma_start3A_59 : memref<8192xf32, #tpu.memory_space<hbm>>) target_semaphore(%run_scoped3A : memref<!tpu.dma_semaphore, #tpu.memory_space<semaphore_mem>>)
        %dma_wait3A = arith.constant 0 : i32
        %dma_wait3A_60 = tpu.memref_slice %arg5[%add3A_11, %dma_wait3A] : memref<845x16384xf32, #tpu.memory_space<hbm>> -> memref<1x8192xf32, #tpu.memory_space<hbm>>
        %dma_wait3A_61 = tpu.memref_squeeze %dma_wait3A_60 : memref<1x8192xf32, #tpu.memory_space<hbm>> -> memref<8192xf32, #tpu.memory_space<hbm>>
        %dma_wait3A_62 = arith.constant 0 : i32
        %dma_wait3A_63 = tpu.memref_slice %arg5[%add3A_11, %dma_wait3A_62] : memref<845x16384xf32, #tpu.memory_space<hbm>> -> memref<1x8192xf32, #tpu.memory_space<hbm>>
        %dma_wait3A_64 = tpu.memref_squeeze %dma_wait3A_63 : memref<1x8192xf32, #tpu.memory_space<hbm>> -> memref<8192xf32, #tpu.memory_space<hbm>>
        tpu.wait_dma2 semaphore(%run_scoped3A : memref<!tpu.dma_semaphore, #tpu.memory_space<semaphore_mem>>) src(%arg8 : memref<8192xf32, #tpu.memory_space<vmem>>) dst(%dma_wait3A_64 : memref<8192xf32, #tpu.memory_space<hbm>>)
        tpu.yield
      }) : () -> ()
      %parallel_loop3A_52 = arith.constant 0 : i32
      %parallel_loop3A_53 = arith.constant 512 : i32
      %parallel_loop3A_54 = arith.constant 1 : i32
      scf.for %parallel_loop3A_55 = %parallel_loop3A_52 to %parallel_loop3A_53 step %parallel_loop3A_54  : i32 {
        %parallel_loop3A_56 = arith.constant 16 : i32
        %parallel_loop3A_57 = arith.muli %parallel_loop3A_55, %parallel_loop3A_56 : i32
        %parallel_loop3A_58 = arith.constant 8192 : i32
        %parallel_loop3A_59 = arith.addi %parallel_loop3A_58, %parallel_loop3A_57 : i32
        %parallel_loop3A_60 = arith.index_cast %parallel_loop3A_59 : i32 to index
        %parallel_loop3A_61 = tpu.vector_load %arg7[%parallel_loop3A_60] {strides = array<i32>} : memref<16384xi32, #tpu.memory_space<vmem>>, vector<16xi32>,
        %parallel_loop3A_62 = tpu.vector_load_idx %arg6[%parallel_loop3A_61] : memref<100000xf32, #tpu.memory_space<vmem>>[vector<16xi32>], vector<16xf32>,
        %parallel_loop3A_63 = arith.constant 16 : i32
        %parallel_loop3A_64 = arith.muli %parallel_loop3A_55, %parallel_loop3A_63 : i32
        %parallel_loop3A_65 = arith.index_cast %parallel_loop3A_64 : i32 to index
        %parallel_loop3A_66 = tpu.vector_load %arg8[%parallel_loop3A_65] {strides = array<i32>} : memref<8192xf32, #tpu.memory_space<vmem>>, vector<16xf32>,
        tpu.vector_store %arg8[%parallel_loop3A_65], %parallel_loop3A_62 {strides = array<i32>} : memref<8192xf32, #tpu.memory_space<vmem>>, vector<16xf32>,
      } {sc.loop_unroll_factor = 16 : i64, sc.parallel_access}
      "tpu.region"() ({
        %run_scoped3A = tpu.sem_alloc : memref<!tpu.dma_semaphore, #tpu.memory_space<semaphore_mem>>
        %dma_start3A = arith.constant 8192 : i32
        %dma_start3A_55 = tpu.memref_slice %arg5[%add3A_11, %dma_start3A] : memref<845x16384xf32, #tpu.memory_space<hbm>> -> memref<1x8192xf32, #tpu.memory_space<hbm>>
        %dma_start3A_56 = tpu.memref_squeeze %dma_start3A_55 : memref<1x8192xf32, #tpu.memory_space<hbm>> -> memref<8192xf32, #tpu.memory_space<hbm>>
        %dma_start3A_57 = arith.constant 8192 : i32
        %dma_start3A_58 = tpu.memref_slice %arg5[%add3A_11, %dma_start3A_57] : memref<845x16384xf32, #tpu.memory_space<hbm>> -> memref<1x8192xf32, #tpu.memory_space<hbm>>
        %dma_start3A_59 = tpu.memref_squeeze %dma_start3A_58 : memref<1x8192xf32, #tpu.memory_space<hbm>> -> memref<8192xf32, #tpu.memory_space<hbm>>
        tpu.enqueue_dma source(%arg8 : memref<8192xf32, #tpu.memory_space<vmem>>) target(%dma_start3A_59 : memref<8192xf32, #tpu.memory_space<hbm>>) target_semaphore(%run_scoped3A : memref<!tpu.dma_semaphore, #tpu.memory_space<semaphore_mem>>)
        %dma_wait3A = arith.constant 8192 : i32
        %dma_wait3A_60 = tpu.memref_slice %arg5[%add3A_11, %dma_wait3A] : memref<845x16384xf32, #tpu.memory_space<hbm>> -> memref<1x8192xf32, #tpu.memory_space<hbm>>
        %dma_wait3A_61 = tpu.memref_squeeze %dma_wait3A_60 : memref<1x8192xf32, #tpu.memory_space<hbm>> -> memref<8192xf32, #tpu.memory_space<hbm>>
        %dma_wait3A_62 = arith.constant 8192 : i32
        %dma_wait3A_63 = tpu.memref_slice %arg5[%add3A_11, %dma_wait3A_62] : memref<845x16384xf32, #tpu.memory_space<hbm>> -> memref<1x8192xf32, #tpu.memory_space<hbm>>
        %dma_wait3A_64 = tpu.memref_squeeze %dma_wait3A_63 : memref<1x8192xf32, #tpu.memory_space<hbm>> -> memref<8192xf32, #tpu.memory_space<hbm>>
        tpu.wait_dma2 semaphore(%run_scoped3A : memref<!tpu.dma_semaphore, #tpu.memory_space<semaphore_mem>>) src(%arg8 : memref<8192xf32, #tpu.memory_space<vmem>>) dst(%dma_wait3A_64 : memref<8192xf32, #tpu.memory_space<hbm>>)
        tpu.yield
      }) : () -> ()
    }
    %scan3A_7 = arith.constant 26 : i32
    return
  }
}

</mosaic_0001>

<sc_bundles>
// kernel: kernel.3.cloned.1.call-start
scs
__scs_entry_jumppad:
0x0: {  	(pc) =	sbr.rel $0x88, $3  }
0x1: {  	(tag) =	ssettag $0x0;
	lr =	simm.s32 $0x1  }
0x2: {  	[smem:$0x3F9E] =	sst lr;
	_ =	strace $0xD0000000  }
0x3: {  	_ = 	snop  }
0x4: {  	_ = 	snop  }
0x5: {  	_ = 	snop  }
0x6: {  	_ = 	snop  }
0x7: {  	_ = 	snop  }
__scs_overlays_trampoline_lowered:
0x8: {  	[smem:$0x3FAD] =	sst s0  }
0x9: {  	[smem:$0x3FAE] =	sst s1  }
0xa: {  	[smem:$0x3FAF] =	sst s2  }
0xb: {  	[smem:$0x3FB0] =	sst s3  }
0xc: {  	[smem:$0x3FB1] =	sst s4  }
0xd: {  	[smem:$0x3FB2] =	sst s5  }
0xe: {  	[smem:$0x3FB3] =	sst s6  }
0xf: {  	[smem:$0x3FB4] =	sst s7  }
0x10: {  	[smem:$0x3FB5] =	sst s8  }
0x11: {  	[smem:$0x3FB6] =	sst s9;
	s0 =	simm.s32 @!p0 $0x0  }
0x12: {  	s1 =	sld [smem:$0x3F9C];
	s0 =	simm.s32 @p0 $0x1  }
0x13: {  	[smem:$0x3FB7] =	sst s0;
	s0 =	simm.s32 @!p1 $0x0  }
0x14: {  	s2 =	sld [smem:$0x3F9B];
	s0 =	simm.s32 @p1 $0x1  }
0x15: {  	[smem:$0x3FB8] =	sst s0;
	s0 =	simm.s32 @!p2 $0x0  }
0x16: {  	s3 =	sld [smem:$0x3FDB];
	s0 =	simm.s32 @p2 $0x1  }
0x17: {  	s4 =	simm.s32 $0x1BF5;
	[smem:$0x3FBA] =	sst s0  }
0x18: {  	s0 =	sld [smem:$0x3F9D];
	_ =	swait.ge [sflag:s4], $0x0  }
0x19: {  	s7 =	sld [smem:$0x3F9E]  }
0x1a: {  	s8 =	sadd.s32 $0xFFFFE003, lr  }
0x1b: {  	s9 =	sadd.s32 $0xFFFFFEF7, lr;
	s5 =	simm.s32 $0xFFFFFFFF;
	p2 =	slt.u32 s8, $0xFFFFF086  }
0x1c: {  	p1 =	slt.u32 s9, $0xF7A;
	s5 =	simm.s32 @!p2 $0x0  }
0x1d: {  	s5 =	simm.s32 @p1 $0x1;
	p0 =	seq.s32 s7, s2  }
0x1e: {  	s7 =	smul.u32 @!p0 $0xF7A, s2;
	p2 =	seq.s32 @!p0 s5, $0x0  }
0x1f: {  	s9 =	smul.u32 $0xF7A, s1;
	s8 =	simm.s32 @!p0 $0x1BF5;
	p2 =	por !p2, p0  }
0x20: {  	[sflag:s8] =	ssyncset.s32 @!p0 $0xFFFFF086;
	s6 =	sadd.s32 @!p0 s3, s7;
	s7 =	simm.s32 @!p0 $0x108  }
0x21: {  	s3 =	sadd.s32 s3, s9;
	s6 =	sadd.s32 @!p0 $0x88, s6;
	s7 =	simm.s32 @p2 $0x1082  }
0x22: {  	[simem:s7], [sflag:s8] =	dma.local @!p0 [hbm:s6], $0xF7A  }
0x23: {  	s9 =	sor.u32 $0xD0000000, s2;
	s6 =	simm.s32 $0x108;
	_ =	swait.ge @!p0 [sflag:s8], $0x0  }
0x24: {  	s3 =	sadd.s32 $0x88, s3;
	s6 =	simm.s32 @!p1 $0x1082;
	[sflag:s4] =	ssyncset.s32 $0xFFFFF086  }
0x25: {  	[simem:s6], [sflag:s4] =	dma.local [hbm:s3], $0xF7A  }
0x26: {  	[smem:$0x3F9E] =	sst s1;
	(tag) =	ssettag s2;
	_ =	strace s9  }
0x27: {  	s1 =	sld [smem:$0x3FAE]  }
0x28: {  	s2 =	sld [smem:$0x3FAF]  }
0x29: {  	s4 =	sld [smem:$0x3FB1]  }
0x2a: {  	p0 =	seq.s32 s5, $0x0;
	s5 =	sld [smem:$0x3FB2]  }
0x2b: {  	s6 =	sld [smem:$0x3FB3]  }
0x2c: {  	s7 =	sld [smem:$0x3FB4]  }
0x2d: {  	s3 =	simm.s32 $0x108;
	s8 =	sld [smem:$0x3FB5]  }
0x2e: {  	s3 =	simm.s32 @!p0 $0x1082;
	s9 =	sld [smem:$0x3FB6]  }
0x2f: {  	lr =	sadd.s32 s0, s3;
	s0 =	sld [smem:$0x3FAD]  }
0x30: {  	s3 =	sld [smem:$0x3FB0]  }
0x31: {  	[smem:$0x3FB9] =	sst s10  }
0x32: {  	s10 =	sld [smem:$0x3FB7];
	_ =	sdelay $0x3  }
0x33: {  	p0 =	seq.s32 s10, $0x1;
	s10 =	sld [smem:$0x3FB9];
	_ =	sdelay $0x3  }
0x34: {  	[smem:$0x3FB9] =	sst s10  }
0x35: {  	s10 =	sld [smem:$0x3FB8];
	_ =	sdelay $0x3  }
0x36: {  	p1 =	seq.s32 s10, $0x1;
	s10 =	sld [smem:$0x3FB9];
	_ =	sdelay $0x3  }
0x37: {  	[smem:$0x3FB9] =	sst s10  }
0x38: {  	s10 =	sld [smem:$0x3FBA]  }
0x39: {  	_ = 	snop;
	(pc) =	sbr.ind lr, $3  }
0x3a: {  	_ = 	snop  }
0x3b: {  	_ = 	snop  }
0x3c: {  	p2 =	seq.s32 s10, $0x1;
	s10 =	sld [smem:$0x3FB9]  }
0x3d: {  	_ =	shalt  }
0x3e: {  	_ =	shalt  }
0x3f: {  	_ =	shalt  }
0x40: {  	_ =	shalt  }
0x41: {  	_ =	shalt  }
0x42: {  	_ =	shalt  }
0x43: {  	_ =	shalt  }
0x44: {  	_ =	shalt  }
0x45: {  	_ =	shalt  }
0x46: {  	_ =	shalt  }
0x47: {  	_ =	shalt  }
0x48: {  	_ =	shalt  }
0x49: {  	_ =	shalt  }
0x4a: {  	_ =	shalt  }
0x4b: {  	_ =	shalt  }
0x4c: {  	_ =	shalt  }
0x4d: {  	_ =	shalt  }
0x4e: {  	_ =	shalt  }
0x4f: {  	_ =	shalt  }
0x50: {  	_ =	shalt  }
0x51: {  	_ =	shalt  }
0x52: {  	_ =	shalt  }
0x53: {  	_ =	shalt  }
0x54: {  	_ =	shalt  }
0x55: {  	_ =	shalt  }
0x56: {  	_ =	shalt  }
0x57: {  	_ =	shalt  }
0x58: {  	_ =	shalt  }
0x59: {  	_ =	shalt  }
0x5a: {  	_ =	shalt  }
0x5b: {  	_ =	shalt  }
0x5c: {  	_ =	shalt  }
0x5d: {  	_ =	shalt  }
0x5e: {  	_ =	shalt  }
0x5f: {  	_ =	shalt  }
0x60: {  	_ =	shalt  }
0x61: {  	_ =	shalt  }
0x62: {  	_ =	shalt  }
0x63: {  	_ =	shalt  }
0x64: {  	_ =	shalt  }
0x65: {  	_ =	shalt  }
0x66: {  	_ =	shalt  }
0x67: {  	_ =	shalt  }
0x68: {  	_ =	shalt  }
0x69: {  	_ =	shalt  }
0x6a: {  	_ =	shalt  }
0x6b: {  	_ =	shalt  }
0x6c: {  	_ =	shalt  }
0x6d: {  	_ =	shalt  }
0x6e: {  	_ =	shalt  }
0x6f: {  	_ =	shalt  }
0x70: {  	_ =	shalt  }
0x71: {  	_ =	shalt  }
0x72: {  	_ =	shalt  }
0x73: {  	_ =	shalt  }
0x74: {  	_ =	shalt  }
0x75: {  	_ =	shalt  }
0x76: {  	_ =	shalt  }
0x77: {  	_ =	shalt  }
0x78: {  	_ =	shalt  }
0x79: {  	_ =	shalt  }
0x7a: {  	_ =	shalt  }
0x7b: {  	_ =	shalt  }
0x7c: {  	_ =	shalt  }
0x7d: {  	_ =	shalt  }
0x7e: {  	_ =	shalt  }
0x7f: {  	_ =	shalt  }
0x80: {  	_ =	shalt  }
0x81: {  	_ =	shalt  }
0x82: {  	_ =	shalt  }
0x83: {  	_ =	shalt  }
0x84: {  	_ =	shalt  }
0x85: {  	_ =	shalt  }
0x86: {  	_ =	shalt  }
0x87: {  	_ =	shalt  }
.Lfunc_end0:
.L_simem_size_0:
called_computation_lowered:
.L_overlay_start_0:
0x88: {  	s2 =	sld [smem:$0x3FD9]  }
0x89: {  	s3 =	sld [smem:$0x3FFE];
	_ =	sdelay $0x1  }
0x8a: {  	s1 =	srdreg.scid  }
0x8b: {  	s0 =	sand.u32 $0x1, s1  }
0x8c: {  	s18 =	sshll.u32 s0, $0xA;
	s2 =	sadd.s32 s3, s2  }
0x8d: {  	s2 =	sadd.s32 s2, s18  }
0x8e: {  	[smem:$0x3FC5] =	sst s2  }
0x8f: {  	_ = 	snop  }
0x90: {  	s2 =	sld [smem:$0x3FC9]  }
0x91: {  	s19 =	sld [smem:$0x3FC8]  }
0x92: {  	s4 =	sld [smem:$0x3FC7]  }
0x93: {  	s5 =	sld [smem:$0x3FD0];
	(tm) =	ssettm $0x1  }
0x94: {  	s6 =	sld [smem:$0x3FFB];
	_ =	sdelay $0x3  }
0x95: {  	_ =	strace s6  }
0x96: {  	s6 =	sld [smem:$0x3FFC];
	_ =	sdelay $0x3  }
0x97: {  	_ =	strace s6  }
0x98: {  	s6 =	sld [smem:$0x3FFD];
	_ =	sdelay $0x3  }
0x99: {  	_ =	strace s6  }
0x9a: {  	_ =	strace $0x8FFFFFFF  }
0x9b: {  	s20 =	sld [smem:$0x3FDB];
	_ =	sdelay $0x1  }
0x9c: {  	s7 =	simm.s32 $_scs_section_size  }
0x9d: {  	s8 =	simm.s32 $_size__tile_overlayer_lowered;
	s9 =	simm.s32 $_tile_overlayer_lowered  }
0x9e: {  	s23 =	simm.s32 $0x1BFF;
	s22 =	sshll.u32 s9, $0x1;
	s6 =	sadd.s32 s7, s20  }
0x9f: {  	s10 =	simm.s32 $0x0;
	s21 =	sshll.u32 s8, $0x1;
	s8 =	sadd.s32 s22, s6  }
0xa0: {  	[timem:s10], [sflag:s23] =	dma.local [hbm:s8], s21  }
0xa1: {  	_ =	swait.ge [sflag:s23], s21  }
0xa2: {  	s7 =	ssub.s32 $0x0, s21;
	[sflag:s23] =	ssyncset.done $0x0  }
0xa3: {  	[sflag:s23] =	ssyncadd.s32 s7;
	_ =	sdelay $0x1  }
0xa4: {  	s24 =	simm.s32 $0x1B8B  }
0xa5: {  	_ =	swait.ge [sflag:s24], $0x1  }
0xa6: {  	[sflag:s24] =	ssyncset.done $0x0  }
0xa7: {  	s25 =	simm.s32 $0x1B8E;
	[sflag:s24] =	ssyncadd.s32 $0xFFFFFFFF  }
0xa8: {  	s26 =	simm.s32 $execute0_lowered;
	[smem:$0x3FD2] =	sst s25  }
0xa9: {  	s7 =	sshll.u32 s26, $0x1;
	_ =	strace $0x80000046;
	[dreg:$0x1] =	wrdreg $0xFFFFFFFF  }
0xaa: {  	s28 =	simm.s32 $_size_execute0_lowered;
	s6 =	sadd.s32 s6, s7;
	[dreg:$0x0] =	wrdreg $0x0  }
0xab: {  	s7 =	sshll.u32 s28, $0x1;
	[dreg:$0x2] =	wrdreg s6  }
0xac: {  	[dreg:$0x3] =	wrdreg s7  }
0xad: {  	[dreg:$0x4] =	wrdreg $0xC0  }
0xae: {  	_ =	task [dreg:s10], $0x5FFFF  }
0xaf: {  	[dreg:$0x1] =	wrdreg $0xFFFFFFFF  }
0xb0: {  	[dreg:$0x0] =	wrdreg $0x60  }
0xb1: {  	[dreg:$0x2] =	wrdreg s4  }
0xb2: {  	[dreg:$0x3] =	wrdreg s19  }
0xb3: {  	[dreg:$0x4] =	wrdreg s2  }
0xb4: {  	[dreg:$0x5] =	wrdreg s5  }
0xb5: {  	[dreg:$0x6] =	wrdreg $0x9  }
0xb6: {  	_ =	task.clear_ibuf [dreg:s10], $0x7FFFF;
	_ =	strace $0x90000046  }
0xb7: {  	s29 =	simm.s32 $0x9;
	_ =	strace $0x80000048  }
0xb8: {  	_ =	swait.ge [sflag:s29], $0x1  }
0xb9: {  	[sflag:s29] =	ssyncadd.s32 $0xFFFFFFFF  }
0xba: {  	_ =	strace $0x90000048  }
0xbb: {  	_ =	sfence  }
0xbc: {  	s30 =	sld [smem:$0x0];
	_ =	sdelay $0x2  }
0xbd: {  	s31 =	sshll.u32 s1, $0xD;
	s1 =	sshrl.u32 s1, $0x2  }
0xbe: {  	s3 =	sand.u32 $0x4000, s31;
	s1 =	sadd.s32 s1, s30  }
0xbf: {  	s0 =	sor.u32 s3, s0;
	s1 =	sshll.u32 s1, $0x11  }
0xc0: {  	s0 =	sor.u32 s1, s0  }
0xc1: {  	s0 =	sadd.s32 $0x8F2B, s0  }
0xc2: {  	[sflag:s0] =	ssyncadd.remote.s32 $0x1  }
0xc3: {  	_ =	sfence.sel $0xFFFF  }
0xc4: {  	[dreg:$0x0] =	wrdreg $0xFFFFFFFF;
	(pc) =	sbr.abs _section_cstart, $3  }
0xc5: {  	[dreg:$0x1] =	wrdreg $0xFFFFFFFF  }
0xc6: {  	_ =	task.clear_ibuf [dreg:s10], $0x2FFFF;
	_ =	strace $0x9FFFFFFF  }
0xc7: {  	(tm) =	ssettm $0x7FFFFFFF  }
tec
execute0_lowered:
.L_overlay_start_1:
0x0: {  	(tag) =	ssettag $0x1  }
0x1: {  	s1 =	rddreg [dreg:$0x0]  }
0x2: {  	s3 =	srdreg.scid;
	s2 =	rddreg [dreg:$0x1]  }
0x3: {  	s0 =	stileid.u32;
	s7 =	rddreg [dreg:$0x2]  }
0x4: {  	s4 =	rddreg [dreg:$0x3];
	s5 =	simm.s32 $0x0;
	s14 =	simm.s32 $0x400  }
0x5: {  	s15 =	simm.s32 $0x18700;
	s16 =	simm.s32 $0x1;
	s17 =	simm.s32 $0x1C700  }
0x6: {  	s18 =	simm.s32 $0x0;
	s6 =	sand.u32 $0x1, s3;
	s30 =	sshll.u32 s0, $0x1  }
0x7: {  	s8 =	sshll.u32 s0, $0xC;
	s3 =	rddreg [dreg:$0x4];
	s13 =	sor.u32 s6, s30  }
0x8: {  	[smem:$0x7FF] =	sst s5;
	s11 =	sadd.s32 $0x2000, s4;
	s9 =	sshll.u32 s13, $0x4  }
0x9: {  	s6 =	ssub.s32 $0x2, s6;
	_ =	strace $0x80000047;
	s8 =	sor.u32 s8, s9  }
0xa: {  	s31 =	sshrl.u32 s6, $0x1;
	p0 =	sgt.u32 s13, $0xC;
	s8 =	sand.u32 $0xC070, s8  }
0xb: {  	s12 =	ssub.s32 s6, s31;
	s10 =	sadd.s32 s8, s4;
	s6 =	sadd.s32 s7, s8  }
0xc: {  	s12 =	smax.u32 s12, $0x1;
	s7 =	sadd.s32 $0x1A0000, s10;
	s8 =	sadd.s32 $0x2000, s6  }
0xd: {  	s9 =	sadd.s32 $0x1A2000, s10;
	s10 =	smul.u32 $0x1A, s13;
	s13 =	simm.s32 $0x80  }
.LBB2_1:
0xe: {  	s19 =	simm.s32 @!p0 $0x80  }
0xf: {  	s20 =	simm.s32 @!p0 $0x400;
	s21 =	simm.s32 @!p0 $0x1C700;
	s22 =	simm.s32 @!p0 $0x1  }
0x10: {  	[tilespmem:s21], [sflag:$0x1] =	stream.strided.gather @!p0 [hbm4b:s6+s19], $0x2000, s20, s19, $0x38;
	[tilespmem:$0x1E700] =	vst v63  }
0x11: {  	_ =	swait.ge @!p0 [sflag:s22], $0x2000  }
0x12: {  	[sflag:s22] =	ssyncset.done @!p0 $0x0  }
0x13: {  	[sflag:s22] =	ssyncadd.s32 @!p0 $0xFFFFE000  }
0x14: {  	[hbm4b:s7+s19] =	stream.strided.scatter @!p0 [tilespmem:s21], [sflag:$0x1], $0x2000, s20, s19, $0x38;
	[tilespmem:$0x1E700] =	vst v63  }
0x15: {  	_ =	swait.ge @!p0 [sflag:s22], $0x2000  }
0x16: {  	[sflag:s22] =	ssyncset.done @!p0 $0x0  }
0x17: {  	[sflag:s22] =	ssyncadd.s32 @!p0 $0xFFFFE000  }
0x18: {  	[tilespmem:s21], [sflag:$0x1] =	stream.strided.gather @!p0 [hbm4b:s8+s19], $0x2000, s20, s19, $0x38;
	[tilespmem:$0x1E700] =	vst v63  }
0x19: {  	_ =	swait.ge @!p0 [sflag:s22], $0x2000  }
0x1a: {  	[sflag:s22] =	ssyncset.done @!p0 $0x0  }
0x1b: {  	[sflag:s22] =	ssyncadd.s32 @!p0 $0xFFFFE000  }
0x1c: {  	[hbm4b:s9+s19] =	stream.strided.scatter @!p0 [tilespmem:s21], [sflag:$0x1], $0x2000, s20, s19, $0x38;
	[tilespmem:$0x1E700] =	vst v63  }
0x1d: {  	_ =	swait.ge @!p0 [sflag:s22], $0x2000  }
0x1e: {  	[sflag:s22] =	ssyncset.done @!p0 $0x0  }
0x1f: {  	s19 =	simm.s32 $0x0;
	[sflag:s22] =	ssyncadd.s32 @!p0 $0xFFFFE000  }
.LBB2_2:
0x20: {  	s20 =	sadd.s32 s10, s19  }
0x21: {  	p1 =	seq.s32 s19, $0x0;
	s21 =	sand.u32 $0x1F, s20  }
0x22: {  	p2 =	sne.s32 @!p1 s21, $0x0  }
0x23: {  	s22 =	sshrl.u32 s20, $0x5;
	p1 =	por p1, !p2  }
0x24: {  	s23 =	sshll.u32 @p1 s22, $0x4  }
0x25: {  	s24 =	sshll.u32 @p1 s22, $0xB;
	s23 =	sand.u32 @p1 $0x70, s23  }
0x26: {  	s24 =	sand.u32 @p1 $0xFFFC000, s24;
	s23 =	sadd.s32 @p1 s2, s23  }
0x27: {  	s30 =	sshrl.u32 s21, $0x3;
	s22 =	smul.u32 $0x30E000, s22;
	s23 =	sadd.s32 @p1 s24, s23  }
0x28: {  	[tilespmem:s15], [sflag:$0x1] =	stream.strided.gather @p1 [hbm4b:s23+s13], $0x4000, s14, s13, $0x38;
	[tilespmem:$0x1E700] =	vst v63  }
0x29: {  	s23 =	smul.u32 $0xC3800, s30  }
0x2a: {  	s21 =	sshll.u32 s21, $0x7  }
0x2b: {  	s21 =	sand.u32 $0x380, s21;
	s22 =	sadd.s32 s22, s23  }
0x2c: {  	_ =	swait.ge @p1 [sflag:s16], $0x4000;
	s21 =	sor.u32 s21, s22  }
0x2d: {  	[sflag:s16] =	ssyncset.done @p1 $0x0;
	s21 =	sshrl.u32 s21, $0x3  }
0x2e: {  	[sflag:s16] =	ssyncadd.s32 @p1 $0xFFFFC000;
	s21 =	sadd.s32 s1, s21  }
0x2f: {  	[tilespmem:s5], [sflag:$0x1] =	stream.strided.gather [hbm4b:s21+s13], $0x18700, s14, s13, $0x38;
	[tilespmem:$0x1E700] =	vst v63  }
0x30: {  	_ =	swait.ge [sflag:s16], $0x18700  }
0x31: {  	[sflag:s16] =	ssyncset.done $0x0  }
0x32: {  	s31 =	simm.s32 $0x18780;
	[sflag:s16] =	ssyncadd.s32 $0xFFFE7900  }
0x33: {  	v0 =	vld [tilespmem:s31+$0x70]  }
0x34: {  	v1 =	vld [tilespmem:s31+$0xFFFFFF90]  }
0x35: {  	v2 =	vld [tilespmem:s31+$0xFFFFFFA0]  }
0x36: {  	v3 =	vld [tilespmem:s31+$0xFFFFFFB0]  }
0x37: {  	v4 =	vld [tilespmem:s31+$0xFFFFFFC0]  }
0x38: {  	v5 =	vld [tilespmem:s31+$0xFFFFFFD0]  }
0x39: {  	v6 =	vld [tilespmem:s31+$0xFFFFFFE0]  }
0x3a: {  	v7 =	vld [tilespmem:s31+$0xFFFFFFF0]  }
0x3b: {  	v8 =	vld [tilespmem:s31+$0x0]  }
0x3c: {  	v9 =	vld [tilespmem:s31+$0x10]  }
0x3d: {  	v10 =	vld [tilespmem:s31+$0x20]  }
0x3e: {  	v11 =	vld [tilespmem:s31+$0x30]  }
0x3f: {  	v12 =	vld [tilespmem:s31+$0x40]  }
0x40: {  	v13 =	vld [tilespmem:s31+$0x50]  }
0x41: {  	v14 =	vld [tilespmem:s31+$0x60]  }
0x42: {  	v15 =	vld [tilespmem:s31+$0xFFFFFF80]  }
0x43: {  	v0 =	vld.idx.msk [tilespmem:v0+s5+$0x0], $0xffff  }
0x44: {  	v1 =	vld.idx.msk [tilespmem:v1+s5+$0x0], $0xffff  }
0x45: {  	v2 =	vld.idx.msk [tilespmem:v2+s5+$0x0], $0xffff  }
0x46: {  	v3 =	vld.idx.msk [tilespmem:v3+s5+$0x0], $0xffff  }
0x47: {  	v4 =	vld.idx.msk [tilespmem:v4+s5+$0x0], $0xffff  }
0x48: {  	s21 =	simm.s32 $0x1C780;
	v5 =	vld.idx.msk [tilespmem:v5+s5+$0x0], $0xffff  }
0x49: {  	v8 =	vld.idx.msk [tilespmem:v8+s5+$0x0], $0xffff;
	[tilespmem:s21+$0x70] =	vst v0  }
0x4a: {  	v0 =	vld.idx.msk [tilespmem:v6+s5+$0x0], $0xffff;
	[tilespmem:s21+$0xFFFFFF90] =	vst v1  }
0x4b: {  	v6 =	vld.idx.msk [tilespmem:v7+s5+$0x0], $0xffff;
	[tilespmem:s21+$0xFFFFFFA0] =	vst v2  }
0x4c: {  	v7 =	vld.idx.msk [tilespmem:v15+s5+$0x0], $0xffff;
	[tilespmem:s21+$0xFFFFFFB0] =	vst v3  }
0x4d: {  	[tilespmem:s21+$0xFFFFFFC0] =	vst v4;
	v1 =	vld.idx.msk [tilespmem:v9+s5+$0x0], $0xffff  }
0x4e: {  	[tilespmem:s21+$0xFFFFFFD0] =	vst v5;
	v2 =	vld.idx.msk [tilespmem:v10+s5+$0x0], $0xffff  }
0x4f: {  	v5 =	vld.idx.msk [tilespmem:v11+s5+$0x0], $0xffff;
	[tilespmem:s21+$0x0] =	vst v8  }
0x50: {  	v3 =	vld.idx.msk [tilespmem:v12+s5+$0x0], $0xffff;
	[tilespmem:s21+$0xFFFFFFE0] =	vst v0  }
0x51: {  	v4 =	vld.idx.msk [tilespmem:v14+s5+$0x0], $0xffff;
	[tilespmem:s21+$0xFFFFFFF0] =	vst v6  }
0x52: {  	s23 =	simm.s32 $0x18880;
	s22 =	simm.s32 $0x0;
	[tilespmem:s21+$0xFFFFFF80] =	vst v7;
	v0 =	vld.idx.msk [tilespmem:v13+s5+$0x0], $0xffff  }
.LBB2_3:
0x53: {  	v6 =	vld [tilespmem:s23+$0x70];
	s22 =	sadd.s32 $0x10, s22;
	[tilespmem:s21+$0x10] =	vst v1  }
0x54: {  	v1 =	vld [tilespmem:s23+$0xFFFFFF90];
	p1 =	slt.u32 s22, $0x1F0;
	[tilespmem:s21+$0x20] =	vst v2  }
0x55: {  	v2 =	vld [tilespmem:s23+$0xFFFFFFA0];
	[tilespmem:s21+$0x30] =	vst v5  }
0x56: {  	v5 =	vld [tilespmem:s23+$0xFFFFFFB0];
	[tilespmem:s21+$0x40] =	vst v3  }
0x57: {  	v3 =	vld [tilespmem:s23+$0xFFFFFFC0];
	[tilespmem:s21+$0x50] =	vst v0  }
0x58: {  	v0 =	vld [tilespmem:s23+$0xFFFFFFD0];
	[tilespmem:s21+$0x60] =	vst v4  }
0x59: {  	v4 =	vld [tilespmem:s23+$0xFFFFFFE0]  }
0x5a: {  	v7 =	vld [tilespmem:s23+$0xFFFFFFF0]  }
0x5b: {  	v6 =	vld.idx.msk [tilespmem:v6+s5+$0x0], $0xffff  }
0x5c: {  	v8 =	vld [tilespmem:s23+$0x0]  }
0x5d: {  	v9 =	vld [tilespmem:s23+$0x10]  }
0x5e: {  	v10 =	vld [tilespmem:s23+$0x20]  }
0x5f: {  	v11 =	vld [tilespmem:s23+$0x30]  }
0x60: {  	s21 =	sadd.s32 $0x100, s21;
	v12 =	vld [tilespmem:s23+$0x40]  }
0x61: {  	v13 =	vld [tilespmem:s23+$0x50];
	[tilespmem:s21+$0x70] =	vst v6  }
0x62: {  	v6 =	vld [tilespmem:s23+$0x60]  }
0x63: {  	v14 =	vld [tilespmem:s23+$0xFFFFFF80]  }
0x64: {  	v1 =	vld.idx.msk [tilespmem:v1+s5+$0x0], $0xffff  }
0x65: {  	v2 =	vld.idx.msk [tilespmem:v2+s5+$0x0], $0xffff  }
0x66: {  	v5 =	vld.idx.msk [tilespmem:v5+s5+$0x0], $0xffff  }
0x67: {  	v3 =	vld.idx.msk [tilespmem:v3+s5+$0x0], $0xffff  }
0x68: {  	v0 =	vld.idx.msk [tilespmem:v0+s5+$0x0], $0xffff  }
0x69: {  	v4 =	vld.idx.msk [tilespmem:v4+s5+$0x0], $0xffff  }
0x6a: {  	[tilespmem:s21+$0xFFFFFF90] =	vst v1;
	v7 =	vld.idx.msk [tilespmem:v7+s5+$0x0], $0xffff  }
0x6b: {  	v14 =	vld.idx.msk [tilespmem:v14+s5+$0x0], $0xffff;
	[tilespmem:s21+$0xFFFFFFA0] =	vst v2  }
0x6c: {  	[tilespmem:s21+$0xFFFFFFB0] =	vst v5;
	v8 =	vld.idx.msk [tilespmem:v8+s5+$0x0], $0xffff  }
0x6d: {  	[tilespmem:s21+$0xFFFFFFC0] =	vst v3;
	v1 =	vld.idx.msk [tilespmem:v9+s5+$0x0], $0xffff  }
.Ltmp0:
0x6e: {  	[tilespmem:s21+$0xFFFFFFD0] =	vst v0;
	v2 =	vld.idx.msk [tilespmem:v10+s5+$0x0], $0xffff;
	(pc) =	sbr.rel @p1 .LBB2_3-.Ltmp0, $4  }
0x6f: {  	[tilespmem:s21+$0xFFFFFFE0] =	vst v4;
	v5 =	vld.idx.msk [tilespmem:v11+s5+$0x0], $0xffff  }
0x70: {  	[tilespmem:s21+$0xFFFFFFF0] =	vst v7;
	v3 =	vld.idx.msk [tilespmem:v12+s5+$0x0], $0xffff  }
0x71: {  	[tilespmem:s21+$0xFFFFFF80] =	vst v14;
	v0 =	vld.idx.msk [tilespmem:v13+s5+$0x0], $0xffff  }
0x72: {  	s23 =	sadd.s32 $0x100, s23;
	[tilespmem:s21+$0x0] =	vst v8;
	v4 =	vld.idx.msk [tilespmem:v6+s5+$0x0], $0xffff  }
0x73: {  	[tilespmem:s21+$0x10] =	vst v1  }
0x74: {  	[tilespmem:s21+$0x20] =	vst v2  }
0x75: {  	s22 =	sshll.u32 s20, $0xB;
	s29 =	sshll.u32 s20, $0x4;
	[tilespmem:s21+$0x30] =	vst v5  }
0x76: {  	s22 =	sand.u32 $0xFFFC000, s22;
	s20 =	sand.u32 $0x70, s29;
	[tilespmem:s21+$0x40] =	vst v3  }
0x77: {  	s20 =	sor.u32 s20, s22;
	[tilespmem:s21+$0x50] =	vst v0  }
0x78: {  	s30 =	sadd.s32 s4, s20;
	[tilespmem:s21+$0x60] =	vst v4  }
0x79: {  	[hbm4b:s30+s13] =	stream.strided.scatter [tilespmem:s17], [sflag:$0x1], $0x2000, s14, s13, $0x38;
	[tilespmem:$0x1E700] =	vst v63  }
0x7a: {  	_ =	swait.ge [sflag:s16], $0x2000  }
0x7b: {  	[sflag:s16] =	ssyncset.done $0x0  }
0x7c: {  	s31 =	simm.s32 $0x1A7F0;
	[sflag:s16] =	ssyncadd.s32 $0xFFFFE000  }
0x7d: {  	v0 =	vld [tilespmem:s31+$0x0]  }
0x7e: {  	v1 =	vld [tilespmem:s31+$0xFFFFFF20]  }
0x7f: {  	v2 =	vld [tilespmem:s31+$0xFFFFFF30]  }
0x80: {  	v3 =	vld [tilespmem:s31+$0xFFFFFF40]  }
0x81: {  	v4 =	vld [tilespmem:s31+$0xFFFFFF50]  }
0x82: {  	v5 =	vld [tilespmem:s31+$0xFFFFFF60]  }
0x83: {  	v6 =	vld [tilespmem:s31+$0xFFFFFF70]  }
0x84: {  	v7 =	vld [tilespmem:s31+$0xFFFFFF80]  }
0x85: {  	v8 =	vld [tilespmem:s31+$0xFFFFFF90]  }
0x86: {  	v9 =	vld [tilespmem:s31+$0xFFFFFFA0]  }
0x87: {  	v10 =	vld [tilespmem:s31+$0xFFFFFFB0]  }
0x88: {  	v11 =	vld [tilespmem:s31+$0xFFFFFFC0]  }
0x89: {  	v12 =	vld [tilespmem:s31+$0xFFFFFFD0]  }
0x8a: {  	v13 =	vld [tilespmem:s31+$0xFFFFFFE0]  }
0x8b: {  	v14 =	vld [tilespmem:s31+$0xFFFFFFF0]  }
0x8c: {  	v15 =	vld [tilespmem:s31+$0xFFFFFF10]  }
0x8d: {  	v0 =	vld.idx.msk [tilespmem:v0+s5+$0x0], $0xffff  }
0x8e: {  	v1 =	vld.idx.msk [tilespmem:v1+s5+$0x0], $0xffff  }
0x8f: {  	v2 =	vld.idx.msk [tilespmem:v2+s5+$0x0], $0xffff  }
0x90: {  	v3 =	vld.idx.msk [tilespmem:v3+s5+$0x0], $0xffff  }
0x91: {  	v4 =	vld.idx.msk [tilespmem:v4+s5+$0x0], $0xffff  }
0x92: {  	s21 =	simm.s32 $0x1C780;
	v5 =	vld.idx.msk [tilespmem:v5+s5+$0x0], $0xffff  }
0x93: {  	v6 =	vld.idx.msk [tilespmem:v6+s5+$0x0], $0xffff;
	[tilespmem:s21+$0x70] =	vst v0  }
0x94: {  	v7 =	vld.idx.msk [tilespmem:v7+s5+$0x0], $0xffff;
	[tilespmem:s21+$0xFFFFFF90] =	vst v1  }
0x95: {  	v15 =	vld.idx.msk [tilespmem:v15+s5+$0x0], $0xffff;
	[tilespmem:s21+$0xFFFFFFA0] =	vst v2  }
0x96: {  	v8 =	vld.idx.msk [tilespmem:v8+s5+$0x0], $0xffff;
	[tilespmem:s21+$0xFFFFFFB0] =	vst v3  }
0x97: {  	[tilespmem:s21+$0xFFFFFFC0] =	vst v4;
	v0 =	vld.idx.msk [tilespmem:v9+s5+$0x0], $0xffff  }
0x98: {  	[tilespmem:s21+$0xFFFFFFD0] =	vst v5;
	v1 =	vld.idx.msk [tilespmem:v10+s5+$0x0], $0xffff  }
0x99: {  	[tilespmem:s21+$0xFFFFFFE0] =	vst v6;
	v2 =	vld.idx.msk [tilespmem:v11+s5+$0x0], $0xffff  }
0x9a: {  	[tilespmem:s21+$0xFFFFFFF0] =	vst v7;
	v3 =	vld.idx.msk [tilespmem:v12+s5+$0x0], $0xffff  }
0x9b: {  	[tilespmem:s21+$0xFFFFFF80] =	vst v15;
	v4 =	vld.idx.msk [tilespmem:v13+s5+$0x0], $0xffff  }
0x9c: {  	s23 =	simm.s32 $0x1A8F0;
	s22 =	simm.s32 $0x0;
	[tilespmem:s21+$0x0] =	vst v8;
	v5 =	vld.idx.msk [tilespmem:v14+s5+$0x0], $0xffff  }
.LBB2_5:
0x9d: {  	v6 =	vld [tilespmem:s23+$0x0];
	s22 =	sadd.s32 $0x10, s22;
	[tilespmem:s21+$0x10] =	vst v0  }
0x9e: {  	v0 =	vld [tilespmem:s23+$0xFFFFFF20];
	p1 =	slt.u32 s22, $0x1F0;
	[tilespmem:s21+$0x20] =	vst v1  }
0x9f: {  	v1 =	vld [tilespmem:s23+$0xFFFFFF30];
	[tilespmem:s21+$0x30] =	vst v2  }
0xa0: {  	v2 =	vld [tilespmem:s23+$0xFFFFFF40];
	[tilespmem:s21+$0x40] =	vst v3  }
0xa1: {  	v3 =	vld [tilespmem:s23+$0xFFFFFF50];
	[tilespmem:s21+$0x50] =	vst v4  }
0xa2: {  	v4 =	vld [tilespmem:s23+$0xFFFFFF60];
	[tilespmem:s21+$0x60] =	vst v5  }
0xa3: {  	v5 =	vld [tilespmem:s23+$0xFFFFFF70]  }
0xa4: {  	v7 =	vld [tilespmem:s23+$0xFFFFFF80]  }
0xa5: {  	v6 =	vld.idx.msk [tilespmem:v6+s5+$0x0], $0xffff  }
0xa6: {  	v8 =	vld [tilespmem:s23+$0xFFFFFF90]  }
0xa7: {  	v9 =	vld [tilespmem:s23+$0xFFFFFFA0]  }
0xa8: {  	v10 =	vld [tilespmem:s23+$0xFFFFFFB0]  }
0xa9: {  	v11 =	vld [tilespmem:s23+$0xFFFFFFC0]  }
0xaa: {  	s21 =	sadd.s32 $0x100, s21;
	v12 =	vld [tilespmem:s23+$0xFFFFFFD0]  }
0xab: {  	v13 =	vld [tilespmem:s23+$0xFFFFFFE0];
	[tilespmem:s21+$0x70] =	vst v6  }
0xac: {  	v6 =	vld [tilespmem:s23+$0xFFFFFFF0]  }
0xad: {  	v14 =	vld [tilespmem:s23+$0xFFFFFF10]  }
0xae: {  	v0 =	vld.idx.msk [tilespmem:v0+s5+$0x0], $0xffff  }
0xaf: {  	v1 =	vld.idx.msk [tilespmem:v1+s5+$0x0], $0xffff  }
0xb0: {  	v2 =	vld.idx.msk [tilespmem:v2+s5+$0x0], $0xffff  }
0xb1: {  	v3 =	vld.idx.msk [tilespmem:v3+s5+$0x0], $0xffff  }
0xb2: {  	v4 =	vld.idx.msk [tilespmem:v4+s5+$0x0], $0xffff  }
0xb3: {  	v5 =	vld.idx.msk [tilespmem:v5+s5+$0x0], $0xffff  }
0xb4: {  	[tilespmem:s21+$0xFFFFFF90] =	vst v0;
	v7 =	vld.idx.msk [tilespmem:v7+s5+$0x0], $0xffff  }
0xb5: {  	v14 =	vld.idx.msk [tilespmem:v14+s5+$0x0], $0xffff;
	[tilespmem:s21+$0xFFFFFFA0] =	vst v1  }
0xb6: {  	[tilespmem:s21+$0xFFFFFFB0] =	vst v2;
	v8 =	vld.idx.msk [tilespmem:v8+s5+$0x0], $0xffff  }
0xb7: {  	[tilespmem:s21+$0xFFFFFFC0] =	vst v3;
	v0 =	vld.idx.msk [tilespmem:v9+s5+$0x0], $0xffff  }
.Ltmp1:
0xb8: {  	[tilespmem:s21+$0xFFFFFFD0] =	vst v4;
	v1 =	vld.idx.msk [tilespmem:v10+s5+$0x0], $0xffff;
	(pc) =	sbr.rel @p1 .LBB2_5-.Ltmp1, $4  }
0xb9: {  	[tilespmem:s21+$0xFFFFFFE0] =	vst v5;
	v2 =	vld.idx.msk [tilespmem:v11+s5+$0x0], $0xffff  }
0xba: {  	[tilespmem:s21+$0xFFFFFFF0] =	vst v7;
	v3 =	vld.idx.msk [tilespmem:v12+s5+$0x0], $0xffff  }
0xbb: {  	[tilespmem:s21+$0xFFFFFF80] =	vst v14;
	v4 =	vld.idx.msk [tilespmem:v13+s5+$0x0], $0xffff  }
0xbc: {  	s23 =	sadd.s32 $0x100, s23;
	[tilespmem:s21+$0x0] =	vst v8;
	v5 =	vld.idx.msk [tilespmem:v6+s5+$0x0], $0xffff  }
0xbd: {  	[tilespmem:s21+$0x10] =	vst v0  }
0xbe: {  	[tilespmem:s21+$0x20] =	vst v1  }
0xbf: {  	[tilespmem:s21+$0x30] =	vst v2  }
0xc0: {  	s19 =	sadd.s32 $0x1, s19;
	[tilespmem:s21+$0x40] =	vst v3  }
0xc1: {  	p1 =	sne.s32 s19, $0x1A;
	[tilespmem:s21+$0x50] =	vst v4  }
.Ltmp2:
0xc2: {  	s20 =	sadd.s32 s20, s11;
	[tilespmem:s21+$0x60] =	vst v5;
	(pc) =	sbr.rel @p1 .LBB2_2-.Ltmp2, $4  }
0xc3: {  	[hbm4b:s20+s13] =	stream.strided.scatter [tilespmem:s17], [sflag:$0x1], $0x2000, s14, s13, $0x38;
	[tilespmem:$0x1E700] =	vst v63  }
0xc4: {  	_ =	swait.ge [sflag:s16], $0x2000  }
0xc5: {  	[sflag:s16] =	ssyncset.done $0x0  }
0xc6: {  	[sflag:s16] =	ssyncadd.s32 $0xFFFFE000  }
0xc7: {  	s18 =	sadd.s32 $0x1, s18  }
0xc8: {  	p1 =	sne.s32 s18, s12  }
.Ltmp3:
0xc9: {  	_ = 	snop;
	(pc) =	sbr.rel @p1 .LBB2_1-.Ltmp3, $1  }
0xca: {  	_ =	sdelay $0x3  }
0xcb: {  	_ =	sfence.sel $0x180000  }
0xcc: {  	[bflag:$0x0] =	sbarrier.arrive $0xFFFF  }
0xcd: {  	p0 =	sne.s32 s0, $0x0;
	_ =	strace $0x90000047  }
0xce: {  	s0 =	sadd.s32 @!p0 $0x100000, s3;
	[bflag:$0x2] =	sbarrier.arrive $0xFFFF  }
0xcf: {  	[sflag:s0] =	ssyncadd.tile.s32 @!p0 $0x1;
	_ =	shalt  }
.Lfunc_end2:
_tile_overlayer_lowered:
.L_overlay_start_2:
0xd0: {  	(tag) =	ssettag $0x2  }
0xd1: {  	s0 =	rddreg [dreg:$0x0];
	s2 =	stileid.u32  }
0xd2: {  	s1 =	rddreg [dreg:$0x1];
	p0 =	sne.s32 s2, $0x0  }
0xd3: {  	s3 =	rddreg [dreg:$0x2];
	[bflag:$0x3] =	sbarrier.arrive $0xFFFF;
	s2 =	simm.s32 @!p0 $0x1C01  }
0xd4: {  	[timem:s3], [sflag:s2] =	dma.local @!p0 [hbm:s0], s1  }
0xd5: {  	s0 =	simm.s32 @!p0 $0x1  }
0xd6: {  	_ =	swait.ge @!p0 [sflag:s0], s1  }
0xd7: {  	s1 =	ssub.s32 @!p0 $0x0, s1;
	[sflag:s0] =	ssyncset.done @!p0 $0x0  }
0xd8: {  	[sflag:s0] =	ssyncadd.s32 @!p0 s1  }
0xd9: {  	[bflag:$0x3] =	sbarrier.arrive $0xFFFF  }
0xda: {  	_ =	shalt  }

</sc_bundles>
